<compile_context>
chip_gen: v7x
topology: tpu7x:2x2x1
jax: 0.10.2.dev20260603
libtpu: 0.0.44.dev20260713+nightly
codegen_flags: <defaults>
</compile_context>

<pallas_src>
import functools

import jax
import jax.numpy as jnp
from jax import lax
from jax.experimental import pallas as pl
from jax.experimental.pallas import tpu as pltpu
from jax.experimental.pallas import tpu_sc as plsc

B = 32
D_MODEL = 4096
D_FF = 4096
NUM_EXPERTS = 8
TF = 256
NF = D_FF // TF

_SC_INFO = plsc.get_sparse_core_info()
_NC = _SC_INFO.num_cores
_LANES = _SC_INFO.num_lanes
_HALF = _LANES * NUM_EXPERTS


def _gate_kernel(x_ref, gw_ref, out_ref):
    out_ref[:] = jnp.dot(x_ref[:], gw_ref[:],
                         preferred_element_type=jnp.float32)


def _route_sc_kernel(logits_hbm, out_hbm, lv, dv):
    wid = lax.axis_index("s") * _NC + lax.axis_index("c")

    @pl.when(wid < B // _LANES)
    def _():
        pltpu.sync_copy(logits_hbm.at[pl.ds(wid * _HALF, _HALF)], lv)
        iota = jax.lax.broadcasted_iota(jnp.int32, (_LANES,), 0)
        idx = [iota * NUM_EXPERTS + e for e in range(NUM_EXPERTS)]
        v = [plsc.load_gather(lv, [idx[e]]) for e in range(NUM_EXPERTS)]

        m1 = v[0]
        i1 = jnp.zeros((_LANES,), jnp.int32)
        for e in range(1, NUM_EXPERTS):
            upd = v[e] > m1
            m1 = jnp.where(upd, v[e], m1)
            i1 = jnp.where(upd, e, i1)
        m2 = jnp.full((_LANES,), -jnp.inf, jnp.float32)
        i2 = jnp.zeros((_LANES,), jnp.int32)
        for e in range(NUM_EXPERTS):
            upd = (i1 != e) & (v[e] > m2)
            m2 = jnp.where(upd, v[e], m2)
            i2 = jnp.where(upd, e, i2)

        wa = 1.0 / (1.0 + jnp.exp(m2 - m1))
        wb = 1.0 - wa
        zero = jnp.zeros((_LANES,), jnp.float32)
        for e in range(NUM_EXPERTS):
            val = jnp.where(i1 == e, wa, jnp.where(i2 == e, wb, zero))
            plsc.store_scatter(dv, [idx[e]], val)
        pltpu.sync_copy(dv, out_hbm.at[pl.ds(wid * _HALF, _HALF)])


_route_sc = functools.partial(
    pl.kernel,
    out_type=jax.ShapeDtypeStruct((B * NUM_EXPERTS,), jnp.float32),
    mesh=plsc.VectorSubcoreMesh(core_axis_name="c", subcore_axis_name="s"),
    scratch_types=[
        pltpu.VMEM((_HALF,), jnp.float32),
        pltpu.VMEM((_HALF,), jnp.float32),
    ],
    compiler_params=pltpu.CompilerParams(needs_layout_passes=False),
)(_route_sc_kernel)


def _moe_kernel(x_ref, dw_ref, w1_ref, w3_ref, w2_ref, out_ref, acc_ref):
    e = pl.program_id(0)
    f = pl.program_id(1)

    @pl.when((e == 0) & (f == 0))
    def _init():
        acc_ref[:] = jnp.zeros_like(acc_ref)

    x = x_ref[:]
    h1 = jnp.dot(x, w1_ref[0], preferred_element_type=jnp.float32)
    h3 = jnp.dot(x, w3_ref[0], preferred_element_type=jnp.float32)
    h = (h1 * jax.nn.sigmoid(h1)) * h3
    ecols = jax.lax.broadcasted_iota(jnp.int32, (B, NUM_EXPERTS), 1)
    scale = jnp.sum(jnp.where(ecols == e, dw_ref[:], 0.0),
                    axis=1, keepdims=True)
    acc_ref[:] += jnp.dot(h * scale, w2_ref[0],
                          preferred_element_type=jnp.float32)

    @pl.when((e == NUM_EXPERTS - 1) & (f == NF - 1))
    def _done():
        out_ref[:] = acc_ref[:]


@jax.jit
def kernel(x, gate_w, w1, w3, w2):
    tokens = x.reshape(B, D_MODEL)

    logits = pl.pallas_call(
        _gate_kernel,
        out_shape=jax.ShapeDtypeStruct((B, NUM_EXPERTS), jnp.float32),
    )(tokens, gate_w)

    dense_w = _route_sc(logits.reshape(-1)).reshape(B, NUM_EXPERTS)

    out = pl.pallas_call(
        _moe_kernel,
        grid=(NUM_EXPERTS, NF),
        in_specs=[
            pl.BlockSpec((B, D_MODEL), lambda e, f: (0, 0)),
            pl.BlockSpec((B, NUM_EXPERTS), lambda e, f: (0, 0)),
            pl.BlockSpec((1, D_MODEL, TF), lambda e, f: (e, 0, f)),
            pl.BlockSpec((1, D_MODEL, TF), lambda e, f: (e, 0, f)),
            pl.BlockSpec((1, TF, D_MODEL), lambda e, f: (e, f, 0)),
        ],
        out_specs=pl.BlockSpec((B, D_MODEL), lambda e, f: (0, 0)),
        out_shape=jax.ShapeDtypeStruct((B, D_MODEL), jnp.float32),
        scratch_shapes=[
            pltpu.VMEM((B, D_MODEL), jnp.float32),
        ],
    )(tokens, dense_w, w1, w3, w2)
    return out.reshape(B, 1, 1, D_MODEL)

# --- scband reference (transcript-rebuilt; emitter-appended) ---
"""Pipeline reference for scband-tt-moe-layer-55104430408092 (READ-ONLY COPY).

The authoritative reference and input builder live on the scoring server;
editing this copy changes nothing except your own understanding.
"""

import jax, jax.numpy as jnp
import numpy as np

B = 32
D_MODEL = 4096
D_FF = 4096
NUM_EXPERTS = 8
TOP_K = 2


def setup_inputs(seed: int = 0) -> dict:
    key = jax.random.key(seed)
    ks = jax.random.split(key, 5)
    x = jax.random.normal(ks[0], (1, 1, B, D_MODEL), dtype=jnp.float32)
    gate_w = jax.random.normal(ks[1], (D_MODEL, NUM_EXPERTS), dtype=jnp.float32) * 0.02
    w1 = jax.random.normal(ks[2], (NUM_EXPERTS, D_MODEL, D_FF), dtype=jnp.float32) * 0.02
    w3 = jax.random.normal(ks[3], (NUM_EXPERTS, D_MODEL, D_FF), dtype=jnp.float32) * 0.02
    w2 = jax.random.normal(ks[4], (NUM_EXPERTS, D_FF, D_MODEL), dtype=jnp.float32) * 0.02
    return {"x": x, "gate_w": gate_w, "w1": w1, "w3": w3, "w2": w2}


def reference(x, gate_w, w1, w3, w2):
    # x: [1, 1, B, D] (ttnn 1SBH layout). Flatten to tokens.
    Bt = x.shape[2]
    D = x.shape[3]
    E = gate_w.shape[1]
    tokens = x.reshape(Bt, D)

    # Gate linear: gate_logits_1SB8 = ttnn.linear(input, gates_H8)
    logits = tokens @ gate_w  # [B, E]

    # top_2(): take max, mask it out, take max again -> top-2 values + expert ids
    top_vals, top_idx = jax.lax.top_k(logits, TOP_K)  # [B, 2]

    # weights = softmax(weights_1SBK - max(weights_1SBK), dim=-1)
    top_w = jax.nn.softmax(top_vals - jnp.max(top_vals, axis=-1, keepdims=True), axis=-1)  # [B, 2]

    # Dense routing weights [B, E]: weight at selected experts, 0 elsewhere.
    # Equivalent to per-device token selection via batch_ids + embedding gather,
    # followed by all_gather over devices and reduce-sum over the expert dim.
    dense_w = jnp.zeros((Bt, E), dtype=x.dtype)
    dense_w = dense_w.at[jnp.arange(Bt)[:, None], top_idx].add(top_w)

    # Mixtral expert MLP per expert: w2(silu(w1 x) * (w3 x))
    h1 = jnp.einsum('bd,edf->ebf', tokens, w1)  # [E, B, F]
    h3 = jnp.einsum('bd,edf->ebf', tokens, w3)  # [E, B, F]
    h = jax.nn.silu(h1) * h3
    expert_out = jnp.einsum('ebf,efd->ebd', h, w2)  # [E, B, D]

    # results * weights, scattered back to [B, ...] and summed over experts
    out = jnp.einsum('ebd,be->bd', expert_out, dense_w)  # [B, D]

    # output_B1SD: [32, 1, 1, 4096]
    return out.reshape(Bt, 1, 1, D)

if __name__ == "__main__":
    import jax
    _d = setup_inputs()
    print(jax.jit(kernel)(*tuple(_d.values())))

</pallas_src>

<mosaic_0001>
#map = affine_map<(d0, d1) -> (0)>
module attributes {stable_mosaic.version = 14 : i64} {
  func.func @_route_sc_kernel(%arg0: i32, %arg1: i32, %arg2: memref<256xf32, #tpu.memory_space<hbm>>, %arg3: memref<256xf32, #tpu.memory_space<hbm>>, %arg4: memref<128xf32, #tpu.memory_space<vmem>>, %arg5: memref<128xf32, #tpu.memory_space<vmem>>) attributes {dimension_semantics = [#tpu.dimension_semantics<core_parallel>, #tpu.dimension_semantics<subcore_parallel>], iteration_bounds = array<i64: 2, 16>, scalar_prefetch = 0 : i64, scratch_operands = 2 : i64, tpu.core_type = #tpu.core_type<sc_vector_subcore>, window_params = [{transform_indices = #map}, {transform_indices = #map}]} {
    %mul3A = arith.constant 2 : i32
    %mul3A_0 = arith.muli %arg1, %mul3A : i32
    %add3A = arith.addi %mul3A_0, %arg0 : i32
    %lt3A = arith.constant 2 : i32
    %lt3A_1 = arith.cmpi slt, %add3A, %lt3A : i32
    %convert_element_type3A = arith.extui %lt3A_1 : i1 to i32
    %cond3A = arith.constant 0 : i32
    %cond3A_2 = arith.cmpi ne, %convert_element_type3A, %cond3A : i32
    scf.if %cond3A_2 {
      %mul3A_3 = arith.constant 128 : i32
      %mul3A_4 = arith.muli %add3A, %mul3A_3 : i32
      "tpu.region"() ({
        %run_scoped3A = tpu.sem_alloc : memref<!tpu.dma_semaphore, #tpu.memory_space<semaphore_mem>>
        %dma_start3A = tpu.memref_slice %arg2[%mul3A_4] : memref<256xf32, #tpu.memory_space<hbm>> -> memref<128xf32, #tpu.memory_space<hbm>>
        %dma_start3A_242 = tpu.memref_slice %arg2[%mul3A_4] : memref<256xf32, #tpu.memory_space<hbm>> -> memref<128xf32, #tpu.memory_space<hbm>>
        tpu.enqueue_dma source(%dma_start3A_242 : memref<128xf32, #tpu.memory_space<hbm>>) target(%arg4 : memref<128xf32, #tpu.memory_space<vmem>>) target_semaphore(%run_scoped3A : memref<!tpu.dma_semaphore, #tpu.memory_space<semaphore_mem>>)
        %dma_wait3A = tpu.memref_slice %arg2[%mul3A_4] : memref<256xf32, #tpu.memory_space<hbm>> -> memref<128xf32, #tpu.memory_space<hbm>>
        %dma_wait3A_243 = tpu.memref_slice %arg2[%mul3A_4] : memref<256xf32, #tpu.memory_space<hbm>> -> memref<128xf32, #tpu.memory_space<hbm>>
        tpu.wait_dma2 semaphore(%run_scoped3A : memref<!tpu.dma_semaphore, #tpu.memory_space<semaphore_mem>>) src(%dma_wait3A_243 : memref<128xf32, #tpu.memory_space<hbm>>) dst(%arg4 : memref<128xf32, #tpu.memory_space<vmem>>)
        tpu.yield
      }) : () -> ()
      %iota3A = tpu.iota {dimensions = array<i32: 0>} : vector<16xi32>
      %mul3A_5 = arith.constant 8 : i32
      %mul3A_6 = vector.broadcast %mul3A_5 : i32 to vector<16xi32>
      %mul3A_7 = arith.muli %iota3A, %mul3A_6 : vector<16xi32>
      %add3A_8 = arith.constant 0 : i32
      %add3A_9 = vector.broadcast %add3A_8 : i32 to vector<16xi32>
      %add3A_10 = arith.addi %mul3A_7, %add3A_9 : vector<16xi32>
      %mul3A_11 = arith.constant 8 : i32
      %mul3A_12 = vector.broadcast %mul3A_11 : i32 to vector<16xi32>
      %mul3A_13 = arith.muli %iota3A, %mul3A_12 : vector<16xi32>
      %add3A_14 = arith.constant 1 : i32
      %add3A_15 = vector.broadcast %add3A_14 : i32 to vector<16xi32>
      %add3A_16 = arith.addi %mul3A_13, %add3A_15 : vector<16xi32>
      %mul3A_17 = arith.constant 8 : i32
      %mul3A_18 = vector.broadcast %mul3A_17 : i32 to vector<16xi32>
      %mul3A_19 = arith.muli %iota3A, %mul3A_18 : vector<16xi32>
      %add3A_20 = arith.constant 2 : i32
      %add3A_21 = vector.broadcast %add3A_20 : i32 to vector<16xi32>
      %add3A_22 = arith.addi %mul3A_19, %add3A_21 : vector<16xi32>
      %mul3A_23 = arith.constant 8 : i32
      %mul3A_24 = vector.broadcast %mul3A_23 : i32 to vector<16xi32>
      %mul3A_25 = arith.muli %iota3A, %mul3A_24 : vector<16xi32>
      %add3A_26 = arith.constant 3 : i32
      %add3A_27 = vector.broadcast %add3A_26 : i32 to vector<16xi32>
      %add3A_28 = arith.addi %mul3A_25, %add3A_27 : vector<16xi32>
      %mul3A_29 = arith.constant 8 : i32
      %mul3A_30 = vector.broadcast %mul3A_29 : i32 to vector<16xi32>
      %mul3A_31 = arith.muli %iota3A, %mul3A_30 : vector<16xi32>
      %add3A_32 = arith.constant 4 : i32
      %add3A_33 = vector.broadcast %add3A_32 : i32 to vector<16xi32>
      %add3A_34 = arith.addi %mul3A_31, %add3A_33 : vector<16xi32>
      %mul3A_35 = arith.constant 8 : i32
      %mul3A_36 = vector.broadcast %mul3A_35 : i32 to vector<16xi32>
      %mul3A_37 = arith.muli %iota3A, %mul3A_36 : vector<16xi32>
      %add3A_38 = arith.constant 5 : i32
      %add3A_39 = vector.broadcast %add3A_38 : i32 to vector<16xi32>
      %add3A_40 = arith.addi %mul3A_37, %add3A_39 : vector<16xi32>
      %mul3A_41 = arith.constant 8 : i32
      %mul3A_42 = vector.broadcast %mul3A_41 : i32 to vector<16xi32>
      %mul3A_43 = arith.muli %iota3A, %mul3A_42 : vector<16xi32>
      %add3A_44 = arith.constant 6 : i32
      %add3A_45 = vector.broadcast %add3A_44 : i32 to vector<16xi32>
      %add3A_46 = arith.addi %mul3A_43, %add3A_45 : vector<16xi32>
      %mul3A_47 = arith.constant 8 : i32
      %mul3A_48 = vector.broadcast %mul3A_47 : i32 to vector<16xi32>
      %mul3A_49 = arith.muli %iota3A, %mul3A_48 : vector<16xi32>
      %add3A_50 = arith.constant 7 : i32
      %add3A_51 = vector.broadcast %add3A_50 : i32 to vector<16xi32>
      %add3A_52 = arith.addi %mul3A_49, %add3A_51 : vector<16xi32>
      %gather3A = tpu.vector_load_idx %arg4[%add3A_10] : memref<128xf32, #tpu.memory_space<vmem>>[vector<16xi32>], vector<16xf32>,
      %gather3A_53 = tpu.vector_load_idx %arg4[%add3A_16] : memref<128xf32, #tpu.memory_space<vmem>>[vector<16xi32>], vector<16xf32>,
      %gather3A_54 = tpu.vector_load_idx %arg4[%add3A_22] : memref<128xf32, #tpu.memory_space<vmem>>[vector<16xi32>], vector<16xf32>,
      %gather3A_55 = tpu.vector_load_idx %arg4[%add3A_28] : memref<128xf32, #tpu.memory_space<vmem>>[vector<16xi32>], vector<16xf32>,
      %gather3A_56 = tpu.vector_load_idx %arg4[%add3A_34] : memref<128xf32, #tpu.memory_space<vmem>>[vector<16xi32>], vector<16xf32>,
      %gather3A_57 = tpu.vector_load_idx %arg4[%add3A_40] : memref<128xf32, #tpu.memory_space<vmem>>[vector<16xi32>], vector<16xf32>,
      %gather3A_58 = tpu.vector_load_idx %arg4[%add3A_46] : memref<128xf32, #tpu.memory_space<vmem>>[vector<16xi32>], vector<16xf32>,
      %gather3A_59 = tpu.vector_load_idx %arg4[%add3A_52] : memref<128xf32, #tpu.memory_space<vmem>>[vector<16xi32>], vector<16xf32>,
      %broadcast_in_dim3A = arith.constant 0 : i32
      %broadcast_in_dim3A_60 = vector.broadcast %broadcast_in_dim3A : i32 to vector<16xi32>
      %gt3A = arith.cmpf ogt, %gather3A_53, %gather3A : vector<16xf32>
      %select_n3A = arith.select %gt3A, %gather3A_53, %gather3A : vector<16xi1>, vector<16xf32>
      %jit3A = arith.constant 1 : i32
      %broadcast_in_dim3A_61 = vector.broadcast %jit3A : i32 to vector<16xi32>
      %select_n3A_62 = arith.select %gt3A, %broadcast_in_dim3A_61, %broadcast_in_dim3A_60 : vector<16xi1>, vector<16xi32>
      %gt3A_63 = arith.cmpf ogt, %gather3A_54, %select_n3A : vector<16xf32>
      %select_n3A_64 = arith.select %gt3A_63, %gather3A_54, %select_n3A : vector<16xi1>, vector<16xf32>
      %jit3A_65 = arith.constant 2 : i32
      %broadcast_in_dim3A_66 = vector.broadcast %jit3A_65 : i32 to vector<16xi32>
      %select_n3A_67 = arith.select %gt3A_63, %broadcast_in_dim3A_66, %select_n3A_62 : vector<16xi1>, vector<16xi32>
      %gt3A_68 = arith.cmpf ogt, %gather3A_55, %select_n3A_64 : vector<16xf32>
      %select_n3A_69 = arith.select %gt3A_68, %gather3A_55, %select_n3A_64 : vector<16xi1>, vector<16xf32>
      %jit3A_70 = arith.constant 3 : i32
      %broadcast_in_dim3A_71 = vector.broadcast %jit3A_70 : i32 to vector<16xi32>
      %select_n3A_72 = arith.select %gt3A_68, %broadcast_in_dim3A_71, %select_n3A_67 : vector<16xi1>, vector<16xi32>
      %gt3A_73 = arith.cmpf ogt, %gather3A_56, %select_n3A_69 : vector<16xf32>
      %select_n3A_74 = arith.select %gt3A_73, %gather3A_56, %select_n3A_69 : vector<16xi1>, vector<16xf32>
      %jit3A_75 = arith.constant 4 : i32
      %broadcast_in_dim3A_76 = vector.broadcast %jit3A_75 : i32 to vector<16xi32>
      %select_n3A_77 = arith.select %gt3A_73, %broadcast_in_dim3A_76, %select_n3A_72 : vector<16xi1>, vector<16xi32>
      %gt3A_78 = arith.cmpf ogt, %gather3A_57, %select_n3A_74 : vector<16xf32>
      %select_n3A_79 = arith.select %gt3A_78, %gather3A_57, %select_n3A_74 : vector<16xi1>, vector<16xf32>
      %jit3A_80 = arith.constant 5 : i32
      %broadcast_in_dim3A_81 = vector.broadcast %jit3A_80 : i32 to vector<16xi32>
      %select_n3A_82 = arith.select %gt3A_78, %broadcast_in_dim3A_81, %select_n3A_77 : vector<16xi1>, vector<16xi32>
      %gt3A_83 = arith.cmpf ogt, %gather3A_58, %select_n3A_79 : vector<16xf32>
      %select_n3A_84 = arith.select %gt3A_83, %gather3A_58, %select_n3A_79 : vector<16xi1>, vector<16xf32>
      %jit3A_85 = arith.constant 6 : i32
      %broadcast_in_dim3A_86 = vector.broadcast %jit3A_85 : i32 to vector<16xi32>
      %select_n3A_87 = arith.select %gt3A_83, %broadcast_in_dim3A_86, %select_n3A_82 : vector<16xi1>, vector<16xi32>
      %gt3A_88 = arith.cmpf ogt, %gather3A_59, %select_n3A_84 : vector<16xf32>
      %select_n3A_89 = arith.select %gt3A_88, %gather3A_59, %select_n3A_84 : vector<16xi1>, vector<16xf32>
      %jit3A_90 = arith.constant 7 : i32
      %broadcast_in_dim3A_91 = vector.broadcast %jit3A_90 : i32 to vector<16xi32>
      %select_n3A_92 = arith.select %gt3A_88, %broadcast_in_dim3A_91, %select_n3A_87 : vector<16xi1>, vector<16xi32>
      %broadcast_in_dim3A_93 = arith.constant 0xFF800000 : f32
      %broadcast_in_dim3A_94 = vector.broadcast %broadcast_in_dim3A_93 : f32 to vector<16xf32>
      %broadcast_in_dim3A_95 = arith.constant 0 : i32
      %broadcast_in_dim3A_96 = vector.broadcast %broadcast_in_dim3A_95 : i32 to vector<16xi32>
      %ne3A = arith.constant 0 : i32
      %ne3A_97 = vector.broadcast %ne3A : i32 to vector<16xi32>
      %ne3A_98 = arith.cmpi ne, %select_n3A_92, %ne3A_97 : vector<16xi32>
      %gt3A_99 = arith.cmpf ogt, %gather3A, %broadcast_in_dim3A_94 : vector<16xf32>
      %and3A = arith.andi %ne3A_98, %gt3A_99 : vector<16xi1>
      %select_n3A_100 = arith.select %and3A, %gather3A, %broadcast_in_dim3A_94 : vector<16xi1>, vector<16xf32>
      %jit3A_101 = arith.constant 0 : i32
      %broadcast_in_dim3A_102 = vector.broadcast %jit3A_101 : i32 to vector<16xi32>
      %select_n3A_103 = arith.select %and3A, %broadcast_in_dim3A_102, %broadcast_in_dim3A_96 : vector<16xi1>, vector<16xi32>
      %ne3A_104 = arith.constant 1 : i32
      %ne3A_105 = vector.broadcast %ne3A_104 : i32 to vector<16xi32>
      %ne3A_106 = arith.cmpi ne, %select_n3A_92, %ne3A_105 : vector<16xi32>
      %gt3A_107 = arith.cmpf ogt, %gather3A_53, %select_n3A_100 : vector<16xf32>
      %and3A_108 = arith.andi %ne3A_106, %gt3A_107 : vector<16xi1>
      %select_n3A_109 = arith.select %and3A_108, %gather3A_53, %select_n3A_100 : vector<16xi1>, vector<16xf32>
      %jit3A_110 = arith.constant 1 : i32
      %broadcast_in_dim3A_111 = vector.broadcast %jit3A_110 : i32 to vector<16xi32>
      %select_n3A_112 = arith.select %and3A_108, %broadcast_in_dim3A_111, %select_n3A_103 : vector<16xi1>, vector<16xi32>
      %ne3A_113 = arith.constant 2 : i32
      %ne3A_114 = vector.broadcast %ne3A_113 : i32 to vector<16xi32>
      %ne3A_115 = arith.cmpi ne, %select_n3A_92, %ne3A_114 : vector<16xi32>
      %gt3A_116 = arith.cmpf ogt, %gather3A_54, %select_n3A_109 : vector<16xf32>
      %and3A_117 = arith.andi %ne3A_115, %gt3A_116 : vector<16xi1>
      %select_n3A_118 = arith.select %and3A_117, %gather3A_54, %select_n3A_109 : vector<16xi1>, vector<16xf32>
      %jit3A_119 = arith.constant 2 : i32
      %broadcast_in_dim3A_120 = vector.broadcast %jit3A_119 : i32 to vector<16xi32>
      %select_n3A_121 = arith.select %and3A_117, %broadcast_in_dim3A_120, %select_n3A_112 : vector<16xi1>, vector<16xi32>
      %ne3A_122 = arith.constant 3 : i32
      %ne3A_123 = vector.broadcast %ne3A_122 : i32 to vector<16xi32>
      %ne3A_124 = arith.cmpi ne, %select_n3A_92, %ne3A_123 : vector<16xi32>
      %gt3A_125 = arith.cmpf ogt, %gather3A_55, %select_n3A_118 : vector<16xf32>
      %and3A_126 = arith.andi %ne3A_124, %gt3A_125 : vector<16xi1>
      %select_n3A_127 = arith.select %and3A_126, %gather3A_55, %select_n3A_118 : vector<16xi1>, vector<16xf32>
      %jit3A_128 = arith.constant 3 : i32
      %broadcast_in_dim3A_129 = vector.broadcast %jit3A_128 : i32 to vector<16xi32>
      %select_n3A_130 = arith.select %and3A_126, %broadcast_in_dim3A_129, %select_n3A_121 : vector<16xi1>, vector<16xi32>
      %ne3A_131 = arith.constant 4 : i32
      %ne3A_132 = vector.broadcast %ne3A_131 : i32 to vector<16xi32>
      %ne3A_133 = arith.cmpi ne, %select_n3A_92, %ne3A_132 : vector<16xi32>
      %gt3A_134 = arith.cmpf ogt, %gather3A_56, %select_n3A_127 : vector<16xf32>
      %and3A_135 = arith.andi %ne3A_133, %gt3A_134 : vector<16xi1>
      %select_n3A_136 = arith.select %and3A_135, %gather3A_56, %select_n3A_127 : vector<16xi1>, vector<16xf32>
      %jit3A_137 = arith.constant 4 : i32
      %broadcast_in_dim3A_138 = vector.broadcast %jit3A_137 : i32 to vector<16xi32>
      %select_n3A_139 = arith.select %and3A_135, %broadcast_in_dim3A_138, %select_n3A_130 : vector<16xi1>, vector<16xi32>
      %ne3A_140 = arith.constant 5 : i32
      %ne3A_141 = vector.broadcast %ne3A_140 : i32 to vector<16xi32>
      %ne3A_142 = arith.cmpi ne, %select_n3A_92, %ne3A_141 : vector<16xi32>
      %gt3A_143 = arith.cmpf ogt, %gather3A_57, %select_n3A_136 : vector<16xf32>
      %and3A_144 = arith.andi %ne3A_142, %gt3A_143 : vector<16xi1>
      %select_n3A_145 = arith.select %and3A_144, %gather3A_57, %select_n3A_136 : vector<16xi1>, vector<16xf32>
      %jit3A_146 = arith.constant 5 : i32
      %broadcast_in_dim3A_147 = vector.broadcast %jit3A_146 : i32 to vector<16xi32>
      %select_n3A_148 = arith.select %and3A_144, %broadcast_in_dim3A_147, %select_n3A_139 : vector<16xi1>, vector<16xi32>
      %ne3A_149 = arith.constant 6 : i32
      %ne3A_150 = vector.broadcast %ne3A_149 : i32 to vector<16xi32>
      %ne3A_151 = arith.cmpi ne, %select_n3A_92, %ne3A_150 : vector<16xi32>
      %gt3A_152 = arith.cmpf ogt, %gather3A_58, %select_n3A_145 : vector<16xf32>
      %and3A_153 = arith.andi %ne3A_151, %gt3A_152 : vector<16xi1>
      %select_n3A_154 = arith.select %and3A_153, %gather3A_58, %select_n3A_145 : vector<16xi1>, vector<16xf32>
      %jit3A_155 = arith.constant 6 : i32
      %broadcast_in_dim3A_156 = vector.broadcast %jit3A_155 : i32 to vector<16xi32>
      %select_n3A_157 = arith.select %and3A_153, %broadcast_in_dim3A_156, %select_n3A_148 : vector<16xi1>, vector<16xi32>
      %ne3A_158 = arith.constant 7 : i32
      %ne3A_159 = vector.broadcast %ne3A_158 : i32 to vector<16xi32>
      %ne3A_160 = arith.cmpi ne, %select_n3A_92, %ne3A_159 : vector<16xi32>
      %gt3A_161 = arith.cmpf ogt, %gather3A_59, %select_n3A_154 : vector<16xf32>
      %and3A_162 = arith.andi %ne3A_160, %gt3A_161 : vector<16xi1>
      %select_n3A_163 = arith.select %and3A_162, %gather3A_59, %select_n3A_154 : vector<16xi1>, vector<16xf32>
      %jit3A_164 = arith.constant 7 : i32
      %broadcast_in_dim3A_165 = vector.broadcast %jit3A_164 : i32 to vector<16xi32>
      %select_n3A_166 = arith.select %and3A_162, %broadcast_in_dim3A_165, %select_n3A_157 : vector<16xi1>, vector<16xi32>
      %sub3A = arith.subf %select_n3A_163, %select_n3A_89 : vector<16xf32>
      %exp3A = math.exp %sub3A : vector<16xf32>
      %add3A_167 = arith.constant 1.000000e+00 : f32
      %add3A_168 = vector.broadcast %add3A_167 : f32 to vector<16xf32>
      %add3A_169 = arith.addf %add3A_168, %exp3A : vector<16xf32>
      %div3A = arith.constant 1.000000e+00 : f32
      %div3A_170 = vector.broadcast %div3A : f32 to vector<16xf32>
      %div3A_171 = arith.divf %div3A_170, %add3A_169 : vector<16xf32>
      %sub3A_172 = arith.constant 1.000000e+00 : f32
      %sub3A_173 = vector.broadcast %sub3A_172 : f32 to vector<16xf32>
      %sub3A_174 = arith.subf %sub3A_173, %div3A_171 : vector<16xf32>
      %broadcast_in_dim3A_175 = arith.constant 0.000000e+00 : f32
      %broadcast_in_dim3A_176 = vector.broadcast %broadcast_in_dim3A_175 : f32 to vector<16xf32>
      %eq3A = arith.constant 0 : i32
      %eq3A_177 = vector.broadcast %eq3A : i32 to vector<16xi32>
      %eq3A_178 = arith.cmpi eq, %select_n3A_92, %eq3A_177 : vector<16xi32>
      %eq3A_179 = arith.constant 0 : i32
      %eq3A_180 = vector.broadcast %eq3A_179 : i32 to vector<16xi32>
      %eq3A_181 = arith.cmpi eq, %select_n3A_166, %eq3A_180 : vector<16xi32>
      %select_n3A_182 = arith.select %eq3A_181, %sub3A_174, %broadcast_in_dim3A_176 : vector<16xi1>, vector<16xf32>
      %select_n3A_183 = arith.select %eq3A_178, %div3A_171, %select_n3A_182 : vector<16xi1>, vector<16xf32>
      tpu.vector_store_idx %arg5[%add3A_10], %select_n3A_183 : memref<128xf32, #tpu.memory_space<vmem>>[vector<16xi32>], vector<16xf32>,
      %eq3A_184 = arith.constant 1 : i32
      %eq3A_185 = vector.broadcast %eq3A_184 : i32 to vector<16xi32>
      %eq3A_186 = arith.cmpi eq, %select_n3A_92, %eq3A_185 : vector<16xi32>
      %eq3A_187 = arith.constant 1 : i32
      %eq3A_188 = vector.broadcast %eq3A_187 : i32 to vector<16xi32>
      %eq3A_189 = arith.cmpi eq, %select_n3A_166, %eq3A_188 : vector<16xi32>
      %select_n3A_190 = arith.select %eq3A_189, %sub3A_174, %broadcast_in_dim3A_176 : vector<16xi1>, vector<16xf32>
      %select_n3A_191 = arith.select %eq3A_186, %div3A_171, %select_n3A_190 : vector<16xi1>, vector<16xf32>
      tpu.vector_store_idx %arg5[%add3A_16], %select_n3A_191 : memref<128xf32, #tpu.memory_space<vmem>>[vector<16xi32>], vector<16xf32>,
      %eq3A_192 = arith.constant 2 : i32
      %eq3A_193 = vector.broadcast %eq3A_192 : i32 to vector<16xi32>
      %eq3A_194 = arith.cmpi eq, %select_n3A_92, %eq3A_193 : vector<16xi32>
      %eq3A_195 = arith.constant 2 : i32
      %eq3A_196 = vector.broadcast %eq3A_195 : i32 to vector<16xi32>
      %eq3A_197 = arith.cmpi eq, %select_n3A_166, %eq3A_196 : vector<16xi32>
      %select_n3A_198 = arith.select %eq3A_197, %sub3A_174, %broadcast_in_dim3A_176 : vector<16xi1>, vector<16xf32>
      %select_n3A_199 = arith.select %eq3A_194, %div3A_171, %select_n3A_198 : vector<16xi1>, vector<16xf32>
      tpu.vector_store_idx %arg5[%add3A_22], %select_n3A_199 : memref<128xf32, #tpu.memory_space<vmem>>[vector<16xi32>], vector<16xf32>,
      %eq3A_200 = arith.constant 3 : i32
      %eq3A_201 = vector.broadcast %eq3A_200 : i32 to vector<16xi32>
      %eq3A_202 = arith.cmpi eq, %select_n3A_92, %eq3A_201 : vector<16xi32>
      %eq3A_203 = arith.constant 3 : i32
      %eq3A_204 = vector.broadcast %eq3A_203 : i32 to vector<16xi32>
      %eq3A_205 = arith.cmpi eq, %select_n3A_166, %eq3A_204 : vector<16xi32>
      %select_n3A_206 = arith.select %eq3A_205, %sub3A_174, %broadcast_in_dim3A_176 : vector<16xi1>, vector<16xf32>
      %select_n3A_207 = arith.select %eq3A_202, %div3A_171, %select_n3A_206 : vector<16xi1>, vector<16xf32>
      tpu.vector_store_idx %arg5[%add3A_28], %select_n3A_207 : memref<128xf32, #tpu.memory_space<vmem>>[vector<16xi32>], vector<16xf32>,
      %eq3A_208 = arith.constant 4 : i32
      %eq3A_209 = vector.broadcast %eq3A_208 : i32 to vector<16xi32>
      %eq3A_210 = arith.cmpi eq, %select_n3A_92, %eq3A_209 : vector<16xi32>
      %eq3A_211 = arith.constant 4 : i32
      %eq3A_212 = vector.broadcast %eq3A_211 : i32 to vector<16xi32>
      %eq3A_213 = arith.cmpi eq, %select_n3A_166, %eq3A_212 : vector<16xi32>
      %select_n3A_214 = arith.select %eq3A_213, %sub3A_174, %broadcast_in_dim3A_176 : vector<16xi1>, vector<16xf32>
      %select_n3A_215 = arith.select %eq3A_210, %div3A_171, %select_n3A_214 : vector<16xi1>, vector<16xf32>
      tpu.vector_store_idx %arg5[%add3A_34], %select_n3A_215 : memref<128xf32, #tpu.memory_space<vmem>>[vector<16xi32>], vector<16xf32>,
      %eq3A_216 = arith.constant 5 : i32
      %eq3A_217 = vector.broadcast %eq3A_216 : i32 to vector<16xi32>
      %eq3A_218 = arith.cmpi eq, %select_n3A_92, %eq3A_217 : vector<16xi32>
      %eq3A_219 = arith.constant 5 : i32
      %eq3A_220 = vector.broadcast %eq3A_219 : i32 to vector<16xi32>
      %eq3A_221 = arith.cmpi eq, %select_n3A_166, %eq3A_220 : vector<16xi32>
      %select_n3A_222 = arith.select %eq3A_221, %sub3A_174, %broadcast_in_dim3A_176 : vector<16xi1>, vector<16xf32>
      %select_n3A_223 = arith.select %eq3A_218, %div3A_171, %select_n3A_222 : vector<16xi1>, vector<16xf32>
      tpu.vector_store_idx %arg5[%add3A_40], %select_n3A_223 : memref<128xf32, #tpu.memory_space<vmem>>[vector<16xi32>], vector<16xf32>,
      %eq3A_224 = arith.constant 6 : i32
      %eq3A_225 = vector.broadcast %eq3A_224 : i32 to vector<16xi32>
      %eq3A_226 = arith.cmpi eq, %select_n3A_92, %eq3A_225 : vector<16xi32>
      %eq3A_227 = arith.constant 6 : i32
      %eq3A_228 = vector.broadcast %eq3A_227 : i32 to vector<16xi32>
      %eq3A_229 = arith.cmpi eq, %select_n3A_166, %eq3A_228 : vector<16xi32>
      %select_n3A_230 = arith.select %eq3A_229, %sub3A_174, %broadcast_in_dim3A_176 : vector<16xi1>, vector<16xf32>
      %select_n3A_231 = arith.select %eq3A_226, %div3A_171, %select_n3A_230 : vector<16xi1>, vector<16xf32>
      tpu.vector_store_idx %arg5[%add3A_46], %select_n3A_231 : memref<128xf32, #tpu.memory_space<vmem>>[vector<16xi32>], vector<16xf32>,
      %eq3A_232 = arith.constant 7 : i32
      %eq3A_233 = vector.broadcast %eq3A_232 : i32 to vector<16xi32>
      %eq3A_234 = arith.cmpi eq, %select_n3A_92, %eq3A_233 : vector<16xi32>
      %eq3A_235 = arith.constant 7 : i32
      %eq3A_236 = vector.broadcast %eq3A_235 : i32 to vector<16xi32>
      %eq3A_237 = arith.cmpi eq, %select_n3A_166, %eq3A_236 : vector<16xi32>
      %select_n3A_238 = arith.select %eq3A_237, %sub3A_174, %broadcast_in_dim3A_176 : vector<16xi1>, vector<16xf32>
      %select_n3A_239 = arith.select %eq3A_234, %div3A_171, %select_n3A_238 : vector<16xi1>, vector<16xf32>
      tpu.vector_store_idx %arg5[%add3A_52], %select_n3A_239 : memref<128xf32, #tpu.memory_space<vmem>>[vector<16xi32>], vector<16xf32>,
      %mul3A_240 = arith.constant 128 : i32
      %mul3A_241 = arith.muli %add3A, %mul3A_240 : i32
      "tpu.region"() ({
        %run_scoped3A = tpu.sem_alloc : memref<!tpu.dma_semaphore, #tpu.memory_space<semaphore_mem>>
        %dma_start3A = tpu.memref_slice %arg3[%mul3A_241] : memref<256xf32, #tpu.memory_space<hbm>> -> memref<128xf32, #tpu.memory_space<hbm>>
        %dma_start3A_242 = tpu.memref_slice %arg3[%mul3A_241] : memref<256xf32, #tpu.memory_space<hbm>> -> memref<128xf32, #tpu.memory_space<hbm>>
        tpu.enqueue_dma source(%arg5 : memref<128xf32, #tpu.memory_space<vmem>>) target(%dma_start3A_242 : memref<128xf32, #tpu.memory_space<hbm>>) target_semaphore(%run_scoped3A : memref<!tpu.dma_semaphore, #tpu.memory_space<semaphore_mem>>)
        %dma_wait3A = tpu.memref_slice %arg3[%mul3A_241] : memref<256xf32, #tpu.memory_space<hbm>> -> memref<128xf32, #tpu.memory_space<hbm>>
        %dma_wait3A_243 = tpu.memref_slice %arg3[%mul3A_241] : memref<256xf32, #tpu.memory_space<hbm>> -> memref<128xf32, #tpu.memory_space<hbm>>
        tpu.wait_dma2 semaphore(%run_scoped3A : memref<!tpu.dma_semaphore, #tpu.memory_space<semaphore_mem>>) src(%arg5 : memref<128xf32, #tpu.memory_space<vmem>>) dst(%dma_wait3A_243 : memref<128xf32, #tpu.memory_space<hbm>>)
        tpu.yield
      }) : () -> ()
    } else {
    }
    return
  }
}

module attributes {stable_mosaic.version = 14 : i64} {
  func.func @_moe_kernel(%arg0: i32, %arg1: i32, %arg2: memref<32x4096xf32, #tpu.memory_space<vmem>>, %arg3: memref<32x8xf32, #tpu.memory_space<vmem>>, %arg4: memref<1x4096x256xf32, #tpu.memory_space<vmem>>, %arg5: memref<1x4096x256xf32, #tpu.memory_space<vmem>>, %arg6: memref<1x256x4096xf32, #tpu.memory_space<vmem>>, %arg7: memref<32x4096xf32, #tpu.memory_space<vmem>>, %arg8: memref<32x4096xf32, #tpu.memory_space<vmem>>) attributes {dimension_semantics = [#tpu.dimension_semantics<arbitrary>, #tpu.dimension_semantics<arbitrary>], iteration_bounds = array<i64: 8, 16>, scalar_prefetch = 0 : i64, scratch_operands = 1 : i64, tpu.core_type = #tpu.core_type<tc>, window_params = [{pipeline_mode = #tpu.pipeline_mode<synchronous>, transform_indices = @transform_0, window_bounds = array<i64: 32, 4096>}, {pipeline_mode = #tpu.pipeline_mode<synchronous>, transform_indices = @transform_1, window_bounds = array<i64: 32, 8>}, {transform_indices = @transform_2, window_bounds = array<i64: 1, 4096, 256>}, {transform_indices = @transform_3, window_bounds = array<i64: 1, 4096, 256>}, {transform_indices = @transform_4, window_bounds = array<i64: 1, 256, 4096>}, {pipeline_mode = #tpu.pipeline_mode<synchronous>, transform_indices = @transform_5, window_bounds = array<i64: 32, 4096>}]} {
    %eq3A = arith.constant 0 : i32
    %eq3A_0 = arith.cmpi eq, %arg0, %eq3A : i32
    %eq3A_1 = arith.constant 0 : i32
    %eq3A_2 = arith.cmpi eq, %arg1, %eq3A_1 : i32
    %and3A = arith.andi %eq3A_0, %eq3A_2 : i1
    %convert_element_type3A = arith.extui %and3A : i1 to i32
    %cond3A = arith.constant 0 : i32
    %cond3A_3 = arith.cmpi ne, %convert_element_type3A, %cond3A : i32
    scf.if %cond3A_3 {
      %broadcast_in_dim3A_54 = arith.constant 0.000000e+00 : f32
      %broadcast_in_dim3A_55 = vector.broadcast %broadcast_in_dim3A_54 : f32 to vector<32x4096xf32>
      %swap3A_56 = arith.constant 0 : index
      %swap3A_57 = arith.constant 0 : index
      %swap3A_58 = vector.load %arg8[%swap3A_56, %swap3A_57] : memref<32x4096xf32, #tpu.memory_space<vmem>>, vector<32x4096xf32>
      tpu.vector_store %arg8[%swap3A_56, %swap3A_57], %broadcast_in_dim3A_55 {strides = array<i32>} : memref<32x4096xf32, #tpu.memory_space<vmem>>, vector<32x4096xf32>,
    } else {
    }
    %get3A = arith.constant 0 : index
    %get3A_4 = arith.constant 0 : index
    %get3A_5 = vector.load %arg2[%get3A, %get3A_4] : memref<32x4096xf32, #tpu.memory_space<vmem>>, vector<32x4096xf32>
    %get3A_6 = arith.constant 0 : index
    %get3A_7 = arith.constant 0 : index
    %get3A_8 = arith.constant 0 : index
    %get3A_9 = vector.load %arg4[%get3A_6, %get3A_7, %get3A_8] : memref<1x4096x256xf32, #tpu.memory_space<vmem>>, vector<1x4096x256xf32>
    %get3A_10 = vector.shape_cast %get3A_9 : vector<1x4096x256xf32> to vector<4096x256xf32>
    %dot_general3A = arith.constant dense<0.000000e+00> : vector<32x256xf32>
    %dot_general3A_11 = tpu.matmul %get3A_5, %get3A_10, %dot_general3A {dimension_numbers = #tpu.dot_dimension_numbers<[1], [0], [0], [1], [0, 0, 1, 1], [], []>, transpose_lhs_hint = false} : vector<32x4096xf32>, vector<4096x256xf32>, vector<32x256xf32> -> vector<32x256xf32>
    %get3A_12 = arith.constant 0 : index
    %get3A_13 = arith.constant 0 : index
    %get3A_14 = arith.constant 0 : index
    %get3A_15 = vector.load %arg5[%get3A_12, %get3A_13, %get3A_14] : memref<1x4096x256xf32, #tpu.memory_space<vmem>>, vector<1x4096x256xf32>
    %get3A_16 = vector.shape_cast %get3A_15 : vector<1x4096x256xf32> to vector<4096x256xf32>
    %dot_general3A_17 = arith.constant dense<0.000000e+00> : vector<32x256xf32>
    %dot_general3A_18 = tpu.matmul %get3A_5, %get3A_16, %dot_general3A_17 {dimension_numbers = #tpu.dot_dimension_numbers<[1], [0], [0], [1], [0, 0, 1, 1], [], []>, transpose_lhs_hint = false} : vector<32x4096xf32>, vector<4096x256xf32>, vector<32x256xf32> -> vector<32x256xf32>
    %logistic3A = arith.negf %dot_general3A_11 : vector<32x256xf32>
    %logistic3A_19 = math.exp %logistic3A : vector<32x256xf32>
    %logistic3A_20 = arith.constant 1.000000e+00 : f32
    %logistic3A_21 = vector.broadcast %logistic3A_20 : f32 to vector<32x256xf32>
    %logistic3A_22 = arith.addf %logistic3A_21, %logistic3A_19 : vector<32x256xf32>
    %logistic3A_23 = arith.divf %logistic3A_21, %logistic3A_22 : vector<32x256xf32>
    %mul3A = arith.mulf %dot_general3A_11, %logistic3A_23 : vector<32x256xf32>
    %mul3A_24 = arith.mulf %mul3A, %dot_general3A_18 : vector<32x256xf32>
    %iota3A = tpu.iota {dimensions = array<i32: 1>} : vector<32x8xi32>
    %eq3A_25 = vector.broadcast %arg0 : i32 to vector<32x8xi32>
    %eq3A_26 = arith.cmpi eq, %iota3A, %eq3A_25 : vector<32x8xi32>
    %get3A_27 = arith.constant 0 : index
    %get3A_28 = arith.constant 0 : index
    %get3A_29 = vector.load %arg3[%get3A_27, %get3A_28] : memref<32x8xf32, #tpu.memory_space<vmem>>, vector<32x8xf32>
    %jit3A = arith.constant 0.000000e+00 : f32
    %broadcast_in_dim3A = vector.broadcast %jit3A : f32 to vector<32x8xf32>
    %select_n3A = arith.select %eq3A_26, %get3A_29, %broadcast_in_dim3A : vector<32x8xi1>, vector<32x8xf32>
    %reduce_sum3A = arith.constant dense<0.000000e+00> : vector<32xf32>
    %reduce_sum3A_30 = vector.multi_reduction <add>, %select_n3A, %reduce_sum3A [1] : vector<32x8xf32> to vector<32xf32>
    %broadcast_in_dim3A_31 = vector.shape_cast %reduce_sum3A_30 : vector<32xf32> to vector<32x1xf32>
    %get3A_32 = arith.constant 0 : index
    %get3A_33 = arith.constant 0 : index
    %get3A_34 = vector.load %arg8[%get3A_32, %get3A_33] : memref<32x4096xf32, #tpu.memory_space<vmem>>, vector<32x4096xf32>
    %mul3A_35 = vector.broadcast %broadcast_in_dim3A_31 : vector<32x1xf32> to vector<32x256xf32>
    %mul3A_36 = arith.mulf %mul3A_24, %mul3A_35 : vector<32x256xf32>
    %get3A_37 = arith.constant 0 : index
    %get3A_38 = arith.constant 0 : index
    %get3A_39 = arith.constant 0 : index
    %get3A_40 = vector.load %arg6[%get3A_37, %get3A_38, %get3A_39] : memref<1x256x4096xf32, #tpu.memory_space<vmem>>, vector<1x256x4096xf32>
    %get3A_41 = vector.shape_cast %get3A_40 : vector<1x256x4096xf32> to vector<256x4096xf32>
    %dot_general3A_42 = arith.constant dense<0.000000e+00> : vector<32x4096xf32>
    %dot_general3A_43 = tpu.matmul %mul3A_36, %get3A_41, %dot_general3A_42 {dimension_numbers = #tpu.dot_dimension_numbers<[1], [0], [0], [1], [0, 0, 1, 1], [], []>, transpose_lhs_hint = false} : vector<32x256xf32>, vector<256x4096xf32>, vector<32x4096xf32> -> vector<32x4096xf32>
    %add3A = arith.addf %get3A_34, %dot_general3A_43 : vector<32x4096xf32>
    %swap3A = arith.constant 0 : index
    %swap3A_44 = arith.constant 0 : index
    %swap3A_45 = vector.load %arg8[%swap3A, %swap3A_44] : memref<32x4096xf32, #tpu.memory_space<vmem>>, vector<32x4096xf32>
    tpu.vector_store %arg8[%swap3A, %swap3A_44], %add3A {strides = array<i32>} : memref<32x4096xf32, #tpu.memory_space<vmem>>, vector<32x4096xf32>,
    %eq3A_46 = arith.constant 7 : i32
    %eq3A_47 = arith.cmpi eq, %arg0, %eq3A_46 : i32
    %eq3A_48 = arith.constant 15 : i32
    %eq3A_49 = arith.cmpi eq, %arg1, %eq3A_48 : i32
    %and3A_50 = arith.andi %eq3A_47, %eq3A_49 : i1
    %convert_element_type3A_51 = arith.extui %and3A_50 : i1 to i32
    %cond3A_52 = arith.constant 0 : i32
    %cond3A_53 = arith.cmpi ne, %convert_element_type3A_51, %cond3A_52 : i32
    scf.if %cond3A_53 {
      %get3A_54 = arith.constant 0 : index
      %get3A_55 = arith.constant 0 : index
      %get3A_56 = vector.load %arg8[%get3A_54, %get3A_55] : memref<32x4096xf32, #tpu.memory_space<vmem>>, vector<32x4096xf32>
      %swap3A_57 = arith.constant 0 : index
      %swap3A_58 = arith.constant 0 : index
      %swap3A_59 = vector.load %arg7[%swap3A_57, %swap3A_58] : memref<32x4096xf32, #tpu.memory_space<vmem>>, vector<32x4096xf32>
      tpu.vector_store %arg7[%swap3A_57, %swap3A_58], %get3A_56 {strides = array<i32>} : memref<32x4096xf32, #tpu.memory_space<vmem>>, vector<32x4096xf32>,
    } else {
    }
    return
  }
  func.func @transform_0(%arg0: i32, %arg1: i32) -> (i32, i32) {
    %c0_i32 = arith.constant 0 : i32
    %c0_i32_0 = arith.constant 0 : i32
    %c0_i32_1 = arith.constant 0 : i32
    return %c0_i32, %c0_i32_0 : i32, i32
  }
  func.func @transform_1(%arg0: i32, %arg1: i32) -> (i32, i32) {
    %c0_i32 = arith.constant 0 : i32
    %c0_i32_0 = arith.constant 0 : i32
    %c0_i32_1 = arith.constant 0 : i32
    return %c0_i32, %c0_i32_0 : i32, i32
  }
  func.func @transform_2(%arg0: i32, %arg1: i32) -> (i32, i32, i32) {
    %c0_i32 = arith.constant 0 : i32
    %c0_i32_0 = arith.constant 0 : i32
    return %arg0, %c0_i32, %arg1 : i32, i32, i32
  }
  func.func @transform_3(%arg0: i32, %arg1: i32) -> (i32, i32, i32) {
    %c0_i32 = arith.constant 0 : i32
    %c0_i32_0 = arith.constant 0 : i32
    return %arg0, %c0_i32, %arg1 : i32, i32, i32
  }
  func.func @transform_4(%arg0: i32, %arg1: i32) -> (i32, i32, i32) {
    %c0_i32 = arith.constant 0 : i32
    %c0_i32_0 = arith.constant 0 : i32
    return %arg0, %arg1, %c0_i32 : i32, i32, i32
  }
  func.func @transform_5(%arg0: i32, %arg1: i32) -> (i32, i32) {
    %c0_i32 = arith.constant 0 : i32
    %c0_i32_0 = arith.constant 0 : i32
    %c0_i32_1 = arith.constant 0 : i32
    return %c0_i32, %c0_i32_0 : i32, i32
  }
}

module attributes {stable_mosaic.version = 14 : i64} {
  func.func @_gate_kernel(%arg0: memref<32x4096xf32, #tpu.memory_space<vmem>>, %arg1: memref<4096x8xf32, #tpu.memory_space<vmem>>, %arg2: memref<32x8xf32, #tpu.memory_space<vmem>>) attributes {dimension_semantics = [], scalar_prefetch = 0 : i64, scratch_operands = 0 : i64, tpu.core_type = #tpu.core_type<tc>} {
    %get3A = arith.constant 0 : index
    %get3A_0 = arith.constant 0 : index
    %get3A_1 = vector.load %arg0[%get3A, %get3A_0] : memref<32x4096xf32, #tpu.memory_space<vmem>>, vector<32x4096xf32>
    %get3A_2 = arith.constant 0 : index
    %get3A_3 = arith.constant 0 : index
    %get3A_4 = vector.load %arg1[%get3A_2, %get3A_3] : memref<4096x8xf32, #tpu.memory_space<vmem>>, vector<4096x8xf32>
    %dot_general3A = arith.constant dense<0.000000e+00> : vector<32x8xf32>
    %dot_general3A_5 = tpu.matmul %get3A_1, %get3A_4, %dot_general3A {dimension_numbers = #tpu.dot_dimension_numbers<[1], [0], [0], [1], [0, 0, 1, 1], [], []>, transpose_lhs_hint = false} : vector<32x4096xf32>, vector<4096x8xf32>, vector<32x8xf32> -> vector<32x8xf32>
    %swap3A = arith.constant 0 : index
    %swap3A_6 = arith.constant 0 : index
    %swap3A_7 = vector.load %arg2[%swap3A, %swap3A_6] : memref<32x8xf32, #tpu.memory_space<vmem>>, vector<32x8xf32>
    tpu.vector_store %arg2[%swap3A, %swap3A_6], %dot_general3A_5 {strides = array<i32>} : memref<32x8xf32, #tpu.memory_space<vmem>>, vector<32x8xf32>,
    return
  }
}

</mosaic_0001>

<sc_bundles>
// kernel: kernel.5.cloned.1.call-start
scs
__scs_entry_jumppad:
0x0: {  	(pc) =	sbr.rel $0x88, $3  }
0x1: {  	(tag) =	ssettag $0x0;
	lr =	simm.s32 $0x1  }
0x2: {  	[smem:$0x3F9C] =	sst lr;
	_ =	strace $0xD0000000  }
0x3: {  	_ = 	snop  }
0x4: {  	_ = 	snop  }
0x5: {  	_ = 	snop  }
0x6: {  	_ = 	snop  }
0x7: {  	_ = 	snop  }
__scs_overlays_trampoline_lowered:
0x8: {  	[smem:$0x3FAB] =	sst s0  }
0x9: {  	[smem:$0x3FAC] =	sst s1  }
0xa: {  	[smem:$0x3FAD] =	sst s2  }
0xb: {  	[smem:$0x3FAE] =	sst s3  }
0xc: {  	[smem:$0x3FAF] =	sst s4  }
0xd: {  	[smem:$0x3FB0] =	sst s5  }
0xe: {  	[smem:$0x3FB1] =	sst s6  }
0xf: {  	[smem:$0x3FB2] =	sst s7  }
0x10: {  	[smem:$0x3FB3] =	sst s8  }
0x11: {  	[smem:$0x3FB4] =	sst s9;
	s0 =	simm.s32 @!p0 $0x0  }
0x12: {  	s1 =	sld [smem:$0x3F9A];
	s0 =	simm.s32 @p0 $0x1  }
0x13: {  	[smem:$0x3FB5] =	sst s0;
	s0 =	simm.s32 @!p1 $0x0  }
0x14: {  	s2 =	sld [smem:$0x3F99];
	s0 =	simm.s32 @p1 $0x1  }
0x15: {  	[smem:$0x3FB6] =	sst s0;
	s0 =	simm.s32 @!p2 $0x0  }
0x16: {  	s3 =	sld [smem:$0x3FDB];
	s0 =	simm.s32 @p2 $0x1  }
0x17: {  	s4 =	simm.s32 $0x1BF5;
	[smem:$0x3FB8] =	sst s0  }
0x18: {  	s0 =	sld [smem:$0x3F9B];
	_ =	swait.ge [sflag:s4], $0x0  }
0x19: {  	s7 =	sld [smem:$0x3F9C]  }
0x1a: {  	s8 =	sadd.s32 $0xFFFFE003, lr  }
0x1b: {  	s9 =	sadd.s32 $0xFFFFFEF7, lr;
	s5 =	simm.s32 $0xFFFFFFFF;
	p2 =	slt.u32 s8, $0xFFFFF086  }
0x1c: {  	p1 =	slt.u32 s9, $0xF7A;
	s5 =	simm.s32 @!p2 $0x0  }
0x1d: {  	s5 =	simm.s32 @p1 $0x1;
	p0 =	seq.s32 s7, s2  }
0x1e: {  	s7 =	smul.u32 @!p0 $0xF7A, s2;
	p2 =	seq.s32 @!p0 s5, $0x0  }
0x1f: {  	s9 =	smul.u32 $0xF7A, s1;
	s8 =	simm.s32 @!p0 $0x1BF5;
	p2 =	por !p2, p0  }
0x20: {  	[sflag:s8] =	ssyncset.s32 @!p0 $0xFFFFF086;
	s6 =	sadd.s32 @!p0 s3, s7;
	s7 =	simm.s32 @!p0 $0x108  }
0x21: {  	s3 =	sadd.s32 s3, s9;
	s6 =	sadd.s32 @!p0 $0x88, s6;
	s7 =	simm.s32 @p2 $0x1082  }
0x22: {  	[simem:s7], [sflag:s8] =	dma.local @!p0 [hbm:s6], $0xF7A  }
0x23: {  	s9 =	sor.u32 $0xD0000000, s2;
	s6 =	simm.s32 $0x108;
	_ =	swait.ge @!p0 [sflag:s8], $0x0  }
0x24: {  	s3 =	sadd.s32 $0x88, s3;
	s6 =	simm.s32 @!p1 $0x1082;
	[sflag:s4] =	ssyncset.s32 $0xFFFFF086  }
0x25: {  	[simem:s6], [sflag:s4] =	dma.local [hbm:s3], $0xF7A  }
0x26: {  	[smem:$0x3F9C] =	sst s1;
	(tag) =	ssettag s2;
	_ =	strace s9  }
0x27: {  	s1 =	sld [smem:$0x3FAC]  }
0x28: {  	s2 =	sld [smem:$0x3FAD]  }
0x29: {  	s4 =	sld [smem:$0x3FAF]  }
0x2a: {  	p0 =	seq.s32 s5, $0x0;
	s5 =	sld [smem:$0x3FB0]  }
0x2b: {  	s6 =	sld [smem:$0x3FB1]  }
0x2c: {  	s7 =	sld [smem:$0x3FB2]  }
0x2d: {  	s3 =	simm.s32 $0x108;
	s8 =	sld [smem:$0x3FB3]  }
0x2e: {  	s3 =	simm.s32 @!p0 $0x1082;
	s9 =	sld [smem:$0x3FB4]  }
0x2f: {  	lr =	sadd.s32 s0, s3;
	s0 =	sld [smem:$0x3FAB]  }
0x30: {  	s3 =	sld [smem:$0x3FAE]  }
0x31: {  	[smem:$0x3FB7] =	sst s10  }
0x32: {  	s10 =	sld [smem:$0x3FB5];
	_ =	sdelay $0x3  }
0x33: {  	p0 =	seq.s32 s10, $0x1;
	s10 =	sld [smem:$0x3FB7];
	_ =	sdelay $0x3  }
0x34: {  	[smem:$0x3FB7] =	sst s10  }
0x35: {  	s10 =	sld [smem:$0x3FB6];
	_ =	sdelay $0x3  }
0x36: {  	p1 =	seq.s32 s10, $0x1;
	s10 =	sld [smem:$0x3FB7];
	_ =	sdelay $0x3  }
0x37: {  	[smem:$0x3FB7] =	sst s10  }
0x38: {  	s10 =	sld [smem:$0x3FB8]  }
0x39: {  	_ = 	snop;
	(pc) =	sbr.ind lr, $3  }
0x3a: {  	_ = 	snop  }
0x3b: {  	_ = 	snop  }
0x3c: {  	p2 =	seq.s32 s10, $0x1;
	s10 =	sld [smem:$0x3FB7]  }
0x3d: {  	_ =	shalt  }
0x3e: {  	_ =	shalt  }
0x3f: {  	_ =	shalt  }
0x40: {  	_ =	shalt  }
0x41: {  	_ =	shalt  }
0x42: {  	_ =	shalt  }
0x43: {  	_ =	shalt  }
0x44: {  	_ =	shalt  }
0x45: {  	_ =	shalt  }
0x46: {  	_ =	shalt  }
0x47: {  	_ =	shalt  }
0x48: {  	_ =	shalt  }
0x49: {  	_ =	shalt  }
0x4a: {  	_ =	shalt  }
0x4b: {  	_ =	shalt  }
0x4c: {  	_ =	shalt  }
0x4d: {  	_ =	shalt  }
0x4e: {  	_ =	shalt  }
0x4f: {  	_ =	shalt  }
0x50: {  	_ =	shalt  }
0x51: {  	_ =	shalt  }
0x52: {  	_ =	shalt  }
0x53: {  	_ =	shalt  }
0x54: {  	_ =	shalt  }
0x55: {  	_ =	shalt  }
0x56: {  	_ =	shalt  }
0x57: {  	_ =	shalt  }
0x58: {  	_ =	shalt  }
0x59: {  	_ =	shalt  }
0x5a: {  	_ =	shalt  }
0x5b: {  	_ =	shalt  }
0x5c: {  	_ =	shalt  }
0x5d: {  	_ =	shalt  }
0x5e: {  	_ =	shalt  }
0x5f: {  	_ =	shalt  }
0x60: {  	_ =	shalt  }
0x61: {  	_ =	shalt  }
0x62: {  	_ =	shalt  }
0x63: {  	_ =	shalt  }
0x64: {  	_ =	shalt  }
0x65: {  	_ =	shalt  }
0x66: {  	_ =	shalt  }
0x67: {  	_ =	shalt  }
0x68: {  	_ =	shalt  }
0x69: {  	_ =	shalt  }
0x6a: {  	_ =	shalt  }
0x6b: {  	_ =	shalt  }
0x6c: {  	_ =	shalt  }
0x6d: {  	_ =	shalt  }
0x6e: {  	_ =	shalt  }
0x6f: {  	_ =	shalt  }
0x70: {  	_ =	shalt  }
0x71: {  	_ =	shalt  }
0x72: {  	_ =	shalt  }
0x73: {  	_ =	shalt  }
0x74: {  	_ =	shalt  }
0x75: {  	_ =	shalt  }
0x76: {  	_ =	shalt  }
0x77: {  	_ =	shalt  }
0x78: {  	_ =	shalt  }
0x79: {  	_ =	shalt  }
0x7a: {  	_ =	shalt  }
0x7b: {  	_ =	shalt  }
0x7c: {  	_ =	shalt  }
0x7d: {  	_ =	shalt  }
0x7e: {  	_ =	shalt  }
0x7f: {  	_ =	shalt  }
0x80: {  	_ =	shalt  }
0x81: {  	_ =	shalt  }
0x82: {  	_ =	shalt  }
0x83: {  	_ =	shalt  }
0x84: {  	_ =	shalt  }
0x85: {  	_ =	shalt  }
0x86: {  	_ =	shalt  }
0x87: {  	_ =	shalt  }
.Lfunc_end0:
.L_simem_size_0:
called_computation_lowered:
.L_overlay_start_0:
0x88: {  	s2 =	sld [smem:$0x3FD9]  }
0x89: {  	s3 =	sld [smem:$0x3FFE];
	_ =	sdelay $0x1  }
0x8a: {  	s1 =	srdreg.scid  }
0x8b: {  	s0 =	sand.u32 $0x1, s1  }
0x8c: {  	s17 =	sshll.u32 s0, $0xA;
	s2 =	sadd.s32 s3, s2  }
0x8d: {  	s2 =	sadd.s32 s2, s17  }
0x8e: {  	[smem:$0x3FC3] =	sst s2  }
0x8f: {  	_ = 	snop  }
0x90: {  	s2 =	sld [smem:$0x3FD0];
	(tm) =	ssettm $0x1  }
0x91: {  	s18 =	sld [smem:$0x3FFB];
	_ =	sdelay $0x3  }
0x92: {  	_ =	strace s18  }
0x93: {  	s3 =	sld [smem:$0x3FFC];
	_ =	sdelay $0x3  }
0x94: {  	_ =	strace s3  }
0x95: {  	s3 =	sld [smem:$0x3FFD];
	_ =	sdelay $0x3  }
0x96: {  	_ =	strace s3  }
0x97: {  	_ =	strace $0x8FFFFFFF  }
0x98: {  	s19 =	sld [smem:$0x3FDB];
	_ =	sdelay $0x1  }
0x99: {  	s4 =	simm.s32 $_scs_section_size  }
0x9a: {  	s5 =	simm.s32 $_size__tile_overlayer_lowered;
	s6 =	simm.s32 $_tile_overlayer_lowered  }
0x9b: {  	s22 =	simm.s32 $0x1BFF;
	s21 =	sshll.u32 s6, $0x1;
	s3 =	sadd.s32 s4, s19  }
0x9c: {  	s7 =	simm.s32 $0x0;
	s20 =	sshll.u32 s5, $0x1;
	s5 =	sadd.s32 s21, s3  }
0x9d: {  	[timem:s7], [sflag:s22] =	dma.local [hbm:s5], s20  }
0x9e: {  	_ =	swait.ge [sflag:s22], s20  }
0x9f: {  	s4 =	ssub.s32 $0x0, s20;
	[sflag:s22] =	ssyncset.done $0x0  }
0xa0: {  	[sflag:s22] =	ssyncadd.s32 s4;
	_ =	sdelay $0x1  }
0xa1: {  	s23 =	simm.s32 $0x1B8B  }
0xa2: {  	_ =	swait.ge [sflag:s23], $0x1  }
0xa3: {  	[sflag:s23] =	ssyncset.done $0x0  }
0xa4: {  	s25 =	simm.s32 $0x1B8E;
	s24 =	sld [smem:$0x3FFE];
	[sflag:s23] =	ssyncadd.s32 $0xFFFFFFFF  }
0xa5: {  	s26 =	simm.s32 $execute0_lowered;
	[smem:$0x3FD2] =	sst s25  }
0xa6: {  	s5 =	sshll.u32 s26, $0x1;
	_ =	strace $0x80000046;
	[dreg:$0x1] =	wrdreg $0xFFFFFFFF  }
0xa7: {  	s28 =	simm.s32 $_size_execute0_lowered;
	s3 =	sadd.s32 s3, s5;
	[dreg:$0x0] =	wrdreg $0x0  }
0xa8: {  	s5 =	sshll.u32 s28, $0x1;
	[dreg:$0x2] =	wrdreg s3  }
0xa9: {  	[dreg:$0x3] =	wrdreg s5  }
0xaa: {  	[dreg:$0x4] =	wrdreg $0xC0  }
0xab: {  	_ =	task [dreg:s7], $0x5FFFF  }
0xac: {  	[dreg:$0x1] =	wrdreg $0xFFFFFFFF  }
0xad: {  	[dreg:$0x0] =	wrdreg $0x60  }
0xae: {  	[dreg:$0x2] =	wrdreg s2  }
0xaf: {  	[dreg:$0x3] =	wrdreg s24  }
0xb0: {  	[dreg:$0x4] =	wrdreg $0x9  }
0xb1: {  	_ =	task.clear_ibuf [dreg:s7], $0x5FFFF;
	_ =	strace $0x90000046  }
0xb2: {  	s29 =	simm.s32 $0x9;
	_ =	strace $0x80000048  }
0xb3: {  	_ =	swait.ge [sflag:s29], $0x1  }
0xb4: {  	[sflag:s29] =	ssyncadd.s32 $0xFFFFFFFF  }
0xb5: {  	_ =	strace $0x90000048  }
0xb6: {  	_ =	sfence  }
0xb7: {  	s30 =	sld [smem:$0x0];
	_ =	sdelay $0x2  }
0xb8: {  	s31 =	sshll.u32 s1, $0xD;
	s1 =	sshrl.u32 s1, $0x2  }
0xb9: {  	s3 =	sand.u32 $0x4000, s31;
	s1 =	sadd.s32 s1, s30  }
0xba: {  	s0 =	sor.u32 s3, s0;
	s1 =	sshll.u32 s1, $0x11  }
0xbb: {  	s0 =	sor.u32 s1, s0  }
0xbc: {  	s0 =	sadd.s32 $0x8F2B, s0  }
0xbd: {  	[sflag:s0] =	ssyncadd.remote.s32 $0x1  }
0xbe: {  	_ =	sfence.sel $0xFFFF  }
0xbf: {  	[dreg:$0x0] =	wrdreg $0xFFFFFFFF;
	(pc) =	sbr.abs _section_cstart, $3  }
0xc0: {  	[dreg:$0x1] =	wrdreg $0xFFFFFFFF  }
0xc1: {  	_ =	task.clear_ibuf [dreg:s7], $0x2FFFF;
	_ =	strace $0x9FFFFFFF  }
0xc2: {  	(tm) =	ssettm $0x7FFFFFFF  }
0xc3: {  	_ =	shalt  }
tec
execute0_lowered:
.L_overlay_start_1:
0x0: {  	(tag) =	ssettag $0x1  }
0x1: {  	s3 =	stileid.u32  }
0x2: {  	p0 =	sne.s32 s3, $0x0  }
.Ltmp0:
0x3: {  	_ = 	snop;
	(pc) =	sbr.rel @p0 .LBB2_4-.Ltmp0, $4  }
0x4: {  	s2 =	rddreg [dreg:$0x0]  }
0x5: {  	s5 =	rddreg [dreg:$0x1];
	s1 =	simm.s32 $0x0  }
0x6: {  	[smem:$0x7FF] =	sst s1  }
0x7: {  	s0 =	rddreg [dreg:$0x2];
	_ =	strace $0x80000047  }
0x8: {  	s3 =	srdreg.scid  }
0x9: {  	v0 =	vlaneseq.u32;
	s7 =	sand.u32 $0x1, s3  }
0xa: {  	v0 =	vmul.u32 $0x8, v0;
	s6 =	sshll.u32 s7, $0x4  }
0xb: {  	s3 =	sadd.s32 s2, s6;
	s2 =	simm.s32 $0x1  }
0xc: {  	v1 =	vor.u32 $0x1, v0;
	[tilespmem:s1], [sflag:$0x1] =	stream.linear.gather [hbm4b:s3+s1], $0x80, $0x38;
	[tilespmem:$0x100] =	vst v63  }
0xd: {  	_ =	swait.ge [sflag:s2], $0x80  }
0xe: {  	v2 =	vor.u32 $0x2, v0;
	[sflag:s2] =	ssyncset.done $0x0  }
0xf: {  	[sflag:s2] =	ssyncadd.s32 $0xFFFFFF80  }
0x10: {  	v3 =	vor.u32 $0x3, v0;
	v9 =	vld.idx.msk [tilespmem:v0+s1+$0x0], $0xffff  }
0x11: {  	v10 =	vld.idx.msk [tilespmem:v1+s1+$0x0], $0xffff  }
0x12: {  	v4 =	vor.u32 $0x4, v0  }
0x13: {  	v11 =	vld.idx.msk [tilespmem:v2+s1+$0x0], $0xffff  }
0x14: {  	v5 =	vor.u32 $0x5, v0  }
0x15: {  	v12 =	vld.idx.msk [tilespmem:v3+s1+$0x0], $0xffff  }
0x16: {  	v6 =	vor.u32 $0x6, v0;
	vm0 =	vgt.f32 v10, v9  }
0x17: {  	v13 =	vld.idx.msk [tilespmem:v4+s1+$0x0], $0xffff;
	v8 =	vsel vm0, v10, v9  }
0x18: {  	v7 =	vor.u32 $0x7, v0;
	vm1 =	vgt.f32 v11, v8  }
0x19: {  	v14 =	vld.idx.msk [tilespmem:v5+s1+$0x0], $0xffff;
	v8 =	vsel vm1, v11, v8  }
0x1a: {  	vm2 =	vgt.f32 v12, v8  }
0x1b: {  	v15 =	vld.idx.msk [tilespmem:v6+s1+$0x0], $0xffff;
	v16 =	vsel vm2, v12, v8  }
0x1c: {  	vm3 =	vgt.f32 v13, v16  }
0x1d: {  	v17 =	vld.idx.msk [tilespmem:v7+s1+$0x0], $0xffff;
	v8 =	vimm.s32 $0x0;
	v16 =	vsel vm3, v13, v16  }
0x1e: {  	v18 =	vsel vm0, $0x1, v8;
	vm8 =	vgt.f32 v14, v16  }
0x1f: {  	v18 =	vsel vm1, $0x2, v18;
	v16 =	vsel vm8, v14, v16  }
0x20: {  	v18 =	vsel vm2, $0x3, v18;
	vm1 =	vgt.f32 v15, v16  }
0x21: {  	v18 =	vsel vm3, $0x4, v18;
	v16 =	vsel vm1, v15, v16  }
0x22: {  	v18 =	vsel vm8, $0x5, v18;
	vm9 =	vgt.f32 v17, v16  }
0x23: {  	v18 =	vsel vm1, $0x6, v18;
	vm0 =	vmneg vm9  }
0x24: {  	vm10 =	vlt.f32 v9, $-Inf;
	vm11 =	vgt.f32 v9, $-Inf;
	v18 =	vnsel vm0, $0x7, v18  }
0x25: {  	vm2 =	vmor vm11, vm10;
	vm12 =	vne.s32 v18, $0x0  }
0x26: {  	vm2 =	vmand vm2, vm12  }
0x27: {  	v9 =	vnsel vm2, $0xFF800000, v9  }
0x28: {  	vm13 =	vne.s32 v18, $0x1;
	vm14 =	vgt.f32 v10, v9  }
0x29: {  	vm3 =	vmand vm13, vm14  }
0x2a: {  	v9 =	vsel vm3, v10, v9  }
0x2b: {  	vm15 =	vne.s32 v18, $0x2;
	vm4 =	vgt.f32 v11, v9  }
0x2c: {  	vm4 =	vmand vm15, vm4  }
0x2d: {  	v9 =	vsel vm4, v11, v9  }
0x2e: {  	vm8 =	vne.s32 v18, $0x3;
	vm5 =	vgt.f32 v12, v9  }
0x2f: {  	vm5 =	vmand vm8, vm5  }
0x30: {  	v9 =	vsel vm5, v12, v9  }
0x31: {  	vm9 =	vne.s32 v18, $0x4;
	vm6 =	vgt.f32 v13, v9  }
0x32: {  	vm6 =	vmand vm9, vm6  }
0x33: {  	v9 =	vsel vm6, v13, v9  }
0x34: {  	vm10 =	vne.s32 v18, $0x5;
	vm7 =	vgt.f32 v14, v9  }
0x35: {  	vm7 =	vmand vm10, vm7  }
0x36: {  	v9 =	vsel vm7, v14, v9  }
0x37: {  	vm11 =	vgt.f32 v15, v9  }
0x38: {  	vm1 =	vmand vm1, vm0;
	vm2 =	vmneg vm11  }
0x39: {  	vm8 =	vmor vm1, vm2  }
0x3a: {  	v9 =	vsel vm8, v9, v15  }
0x3b: {  	vm12 =	vgt.f32 v17, v9  }
0x3c: {  	vm2 =	vmand vm0, vm12  }
0x3d: {  	v10 =	vsel vm0, v16, v17;
	v9 =	vsel vm2, v17, v9  }
0x3e: {  	v9 =	vsub.f32 v9, v10;
	_ =	sdelay $0x1  }
0x3f: {  	v9 =	vmul.f32 $1.442695020e+00, v9;
	_ =	sdelay $0x1  }
0x40: {  	(erf) = vpow2.f32 v9;
	_ =	sdelay $0x8  }
0x41: {  	v9 =	vpop (erf)  }
0x42: {  	v9 =	vadd.f32 $1.000000000e+00, v9;
	_ =	sdelay $0x1  }
0x43: {  	(erf) = vrcp.f32 v9;
	_ =	sdelay $0x3  }
0x44: {  	v9 =	vsel vm3, $0x1, v8  }
0x45: {  	v9 =	vsel vm4, $0x2, v9  }
0x46: {  	v9 =	vsel vm5, $0x3, v9  }
0x47: {  	v9 =	vsel vm6, $0x4, v9  }
0x48: {  	v9 =	vsel vm7, $0x5, v9  }
0x49: {  	vm13 =	veq.s32 v18, $0x0;
	vm9 =	veq.s32 v18, $0x1;
	v9 =	vnsel vm8, $0x6, v9;
	v10 =	vpop (erf)  }
0x4a: {  	vm3 =	vmor vm2, vm8;
	v9 =	vsel vm2, $0x7, v9;
	v11 =	vsub.f32 $1.000000000e+00, v10  }
0x4b: {  	vm4 =	veq.s32 v18, $0x2;
	vm5 =	veq.s32 v18, $0x3;
	vm14 =	veq.s32 v9, $0x0  }
0x4c: {  	vm6 =	veq.s32 v18, $0x4;
	vm10 =	veq.s32 v9, $0x1;
	v56 =	vnsel vm14, $0x0, v11  }
0x4d: {  	s4 =	simm.s32 $0x80;
	vm15 =	veq.s32 v9, $0x2;
	v57 =	vnsel vm10, $0x0, v11;
	v12 =	vsel vm13, v10, v56  }
0x4e: {  	s7 =	ssub.s32 $0x2, s7;
	vm12 =	veq.s32 v9, $0x3;
	v58 =	vnsel vm15, $0x0, v11;
	v13 =	vsel vm9, v10, v57;
	[tilespmem:v0+s4+$0x0] =	vst.idx.msk $0xffff, v12  }
0x4f: {  	s8 =	sshrl.u32 s7, $0x1;
	v60 =	vnsel vm12, $0x0, v11;
	vm13 =	veq.s32 v9, $0x4;
	v59 =	vsel vm4, v10, v58;
	[tilespmem:v1+s4+$0x0] =	vst.idx.msk $0xffff, v13  }
0x50: {  	s31 =	ssub.s32 s7, s8;
	vm14 =	veq.s32 v9, $0x5;
	v61 =	vsel vm5, v10, v60;
	v9 =	vnsel vm13, $0x0, v11;
	[tilespmem:v2+s4+$0x0] =	vst.idx.msk $0xffff, v59  }
0x51: {  	s5 =	sadd.s32 s6, s5;
	s6 =	smax.u32 s31, $0x1;
	vm15 =	veq.s32 v18, $0x5;
	v62 =	vnsel vm14, $0x0, v11;
	v9 =	vsel vm6, v10, v9;
	[tilespmem:v3+s4+$0x0] =	vst.idx.msk $0xffff, v61  }
0x52: {  	p1 =	sne.s32 s6, $0x1;
	v63 =	vsel vm3, $0x0, v11;
	v12 =	vsel vm15, v10, v62;
	[tilespmem:v4+s4+$0x0] =	vst.idx.msk $0xffff, v9  }
.Ltmp1:
0x53: {  	v11 =	vnsel vm2, $0x0, v11;
	v9 =	vsel vm1, v10, v63;
	[tilespmem:v5+s4+$0x0] =	vst.idx.msk $0xffff, v12;
	(pc) =	sbr.rel @!p1 .LBB2_3-.Ltmp1, $4  }
0x54: {  	v10 =	vsel vm0, v11, v10;
	[tilespmem:v6+s4+$0x0] =	vst.idx.msk $0xffff, v9  }
0x55: {  	s5 =	sadd.s32 $0x600, s5;
	[tilespmem:v7+s4+$0x0] =	vst.idx.msk $0xffff, v10  }
0x56: {  	[hbm4b:s5+s1] =	stream.linear.scatter [tilespmem:s4], [sflag:$0x1], $0x80, $0x38;
	[tilespmem:$0x100] =	vst v63  }
0x57: {  	s6 =	sadd.s32 $0xFFFFFFFF, s6;
	_ =	swait.ge [sflag:s2], $0x80  }
.LBB2_2:
0x58: {  	p1 =	sne.s32 s6, $0x1;
	s6 =	sadd.s32 $0xFFFFFFFF, s6;
	[sflag:s2] =	ssyncset.done $0x0  }
0x59: {  	[sflag:s2] =	ssyncadd.s32 $0xFFFFFF80  }
0x5a: {  	[tilespmem:s1], [sflag:$0x1] =	stream.linear.gather [hbm4b:s3+s1], $0x80, $0x38;
	[tilespmem:$0x100] =	vst v63  }
0x5b: {  	_ =	swait.ge [sflag:s2], $0x80  }
0x5c: {  	[sflag:s2] =	ssyncset.done $0x0  }
0x5d: {  	[sflag:s2] =	ssyncadd.s32 $0xFFFFFF80  }
0x5e: {  	v9 =	vld.idx.msk [tilespmem:v0+s1+$0x0], $0xffff  }
0x5f: {  	v10 =	vld.idx.msk [tilespmem:v1+s1+$0x0], $0xffff  }
0x60: {  	v11 =	vld.idx.msk [tilespmem:v2+s1+$0x0], $0xffff;
	_ =	sdelay $0x1  }
0x61: {  	v12 =	vld.idx.msk [tilespmem:v3+s1+$0x0], $0xffff;
	_ =	sdelay $0x1  }
0x62: {  	vm0 =	vlt.f32 v9, $-Inf;
	vm1 =	vgt.f32 v9, $-Inf;
	v13 =	vld.idx.msk [tilespmem:v4+s1+$0x0], $0xffff  }
0x63: {  	vm3 =	vgt.f32 v10, v9;
	vm2 =	vmor vm1, vm0  }
0x64: {  	v15 =	vsel vm3, v10, v9;
	v14 =	vld.idx.msk [tilespmem:v5+s1+$0x0], $0xffff  }
0x65: {  	vm0 =	vgt.f32 v11, v15  }
0x66: {  	v15 =	vsel vm0, v11, v15;
	v16 =	vld.idx.msk [tilespmem:v6+s1+$0x0], $0xffff  }
0x67: {  	vm1 =	vgt.f32 v12, v15  }
0x68: {  	v15 =	vsel vm1, v12, v15;
	v17 =	vld.idx.msk [tilespmem:v7+s1+$0x0], $0xffff  }
0x69: {  	vm4 =	vgt.f32 v13, v15  }
0x6a: {  	v18 =	vsel vm3, $0x1, v8;
	v15 =	vsel vm4, v13, v15  }
0x6b: {  	v18 =	vsel vm0, $0x2, v18;
	vm0 =	vgt.f32 v14, v15  }
0x6c: {  	v18 =	vsel vm1, $0x3, v18;
	v15 =	vsel vm0, v14, v15  }
0x6d: {  	v18 =	vsel vm4, $0x4, v18;
	vm1 =	vgt.f32 v16, v15  }
0x6e: {  	v18 =	vsel vm0, $0x5, v18;
	v15 =	vsel vm1, v16, v15  }
0x6f: {  	v18 =	vsel vm1, $0x6, v18;
	vm0 =	vgt.f32 v17, v15  }
0x70: {  	vm0 =	vmneg vm0  }
0x71: {  	v15 =	vsel vm0, v15, v17;
	v18 =	vnsel vm0, $0x7, v18  }
0x72: {  	vm3 =	vne.s32 v18, $0x0  }
0x73: {  	vm2 =	vmand vm2, vm3  }
0x74: {  	v9 =	vnsel vm2, $0xFF800000, v9;
	vm2 =	vne.s32 v18, $0x1  }
0x75: {  	vm3 =	vgt.f32 v10, v9  }
0x76: {  	vm2 =	vmand vm2, vm3  }
0x77: {  	vm3 =	vne.s32 v18, $0x2;
	v9 =	vsel vm2, v10, v9  }
0x78: {  	vm4 =	vgt.f32 v11, v9  }
0x79: {  	v10 =	vsel vm2, $0x1, v8;
	vm2 =	vmand vm3, vm4  }
0x7a: {  	v9 =	vsel vm2, v11, v9;
	v10 =	vsel vm2, $0x2, v10;
	vm2 =	vne.s32 v18, $0x3  }
0x7b: {  	vm3 =	vgt.f32 v12, v9  }
0x7c: {  	vm2 =	vmand vm2, vm3  }
0x7d: {  	v9 =	vsel vm2, v12, v9;
	v10 =	vsel vm2, $0x3, v10;
	vm2 =	vne.s32 v18, $0x4  }
0x7e: {  	vm3 =	vgt.f32 v13, v9  }
0x7f: {  	vm2 =	vmand vm2, vm3  }
0x80: {  	v9 =	vsel vm2, v13, v9;
	v10 =	vsel vm2, $0x4, v10;
	vm2 =	vne.s32 v18, $0x5  }
0x81: {  	vm3 =	vgt.f32 v14, v9  }
0x82: {  	vm2 =	vmand vm2, vm3  }
0x83: {  	v9 =	vsel vm2, v14, v9  }
0x84: {  	vm1 =	vmand vm1, vm0;
	vm3 =	vgt.f32 v16, v9  }
0x85: {  	vm3 =	vmneg vm3  }
0x86: {  	vm3 =	vmor vm1, vm3  }
0x87: {  	v9 =	vsel vm3, v9, v16  }
0x88: {  	v10 =	vsel vm2, $0x5, v10;
	vm2 =	vgt.f32 v17, v9  }
0x89: {  	v10 =	vnsel vm3, $0x6, v10;
	vm2 =	vmand vm0, vm2  }
0x8a: {  	v9 =	vsel vm2, v17, v9;
	v10 =	vsel vm2, $0x7, v10;
	vm3 =	vmor vm2, vm3  }
0x8b: {  	v9 =	vsub.f32 v9, v15;
	_ =	sdelay $0x1  }
0x8c: {  	v9 =	vmul.f32 $1.442695020e+00, v9;
	_ =	sdelay $0x1  }
0x8d: {  	(erf) = vpow2.f32 v9;
	_ =	sdelay $0x8  }
0x8e: {  	v9 =	vpop (erf)  }
0x8f: {  	v9 =	vadd.f32 $1.000000000e+00, v9;
	_ =	sdelay $0x1  }
0x90: {  	(erf) = vrcp.f32 v9;
	_ =	sdelay $0x6  }
0x91: {  	vm4 =	veq.s32 v18, $0x5  }
0x92: {  	vm5 =	veq.s32 v18, $0x2;
	vm6 =	veq.s32 v18, $0x3;
	vm7 =	veq.s32 v18, $0x4  }
0x93: {  	vm8 =	veq.s32 v18, $0x0;
	vm9 =	veq.s32 v18, $0x1;
	vm10 =	veq.s32 v10, $0x5;
	v9 =	vpop (erf)  }
0x94: {  	vm11 =	veq.s32 v10, $0x0;
	vm12 =	veq.s32 v10, $0x4;
	v11 =	vsub.f32 $1.000000000e+00, v9  }
0x95: {  	vm13 =	veq.s32 v10, $0x1;
	vm14 =	veq.s32 v10, $0x2;
	vm15 =	veq.s32 v10, $0x3  }
0x96: {  	v10 =	vnsel vm11, $0x0, v11;
	v12 =	vnsel vm13, $0x0, v11;
	v13 =	vnsel vm14, $0x0, v11  }
0x97: {  	v10 =	vsel vm8, v9, v10;
	v12 =	vsel vm9, v9, v12;
	v13 =	vsel vm5, v9, v13  }
0x98: {  	v14 =	vnsel vm12, $0x0, v11;
	v15 =	vnsel vm10, $0x0, v11;
	[tilespmem:v0+s4+$0x0] =	vst.idx.msk $0xffff, v10;
	v10 =	vnsel vm15, $0x0, v11  }
0x99: {  	[tilespmem:v1+s4+$0x0] =	vst.idx.msk $0xffff, v12;
	v10 =	vsel vm6, v9, v10;
	v12 =	vsel vm7, v9, v14;
	v14 =	vsel vm3, $0x0, v11  }
0x9a: {  	v11 =	vnsel vm2, $0x0, v11;
	[tilespmem:v2+s4+$0x0] =	vst.idx.msk $0xffff, v13;
	v13 =	vsel vm4, v9, v15;
	v14 =	vsel vm1, v9, v14  }
0x9b: {  	v9 =	vsel vm0, v11, v9;
	[tilespmem:v3+s4+$0x0] =	vst.idx.msk $0xffff, v10  }
0x9c: {  	[tilespmem:v4+s4+$0x0] =	vst.idx.msk $0xffff, v12  }
.Ltmp2:
0x9d: {  	[tilespmem:v5+s4+$0x0] =	vst.idx.msk $0xffff, v13;
	(pc) =	sbr.rel @p1 .LBB2_2-.Ltmp2, $4  }
0x9e: {  	[tilespmem:v6+s4+$0x0] =	vst.idx.msk $0xffff, v14  }
0x9f: {  	[tilespmem:v7+s4+$0x0] =	vst.idx.msk $0xffff, v9  }
0xa0: {  	[hbm4b:s5+s1] =	stream.linear.scatter [tilespmem:s4], [sflag:$0x1], $0x80, $0x38;
	[tilespmem:$0x100] =	vst v63  }
0xa1: {  	_ =	swait.ge [sflag:s2], $0x80  }
.LBB2_3:
0xa2: {  	[sflag:s2] =	ssyncset.done $0x0  }
0xa3: {  	[sflag:s2] =	ssyncadd.s32 $0xFFFFFF80  }
.LBB2_4:
0xa4: {  	_ =	sfence.sel $0x180000  }
0xa5: {  	[bflag:$0x0] =	sbarrier.arrive $0xFFFF  }
0xa6: {  	_ =	strace $0x90000047  }
0xa7: {  	s0 =	sadd.s32 @!p0 $0x100000, s0;
	[bflag:$0x2] =	sbarrier.arrive $0xFFFF  }
0xa8: {  	[sflag:s0] =	ssyncadd.tile.s32 @!p0 $0x1;
	_ =	shalt  }
.Lfunc_end2:
_tile_overlayer_lowered:
.L_overlay_start_2:
0xa9: {  	(tag) =	ssettag $0x2  }
0xaa: {  	s0 =	rddreg [dreg:$0x0];
	s2 =	stileid.u32  }
0xab: {  	s1 =	rddreg [dreg:$0x1];
	p0 =	sne.s32 s2, $0x0  }
0xac: {  	s3 =	rddreg [dreg:$0x2];
	[bflag:$0x3] =	sbarrier.arrive $0xFFFF;
	s2 =	simm.s32 @!p0 $0x1C01  }
0xad: {  	[timem:s3], [sflag:s2] =	dma.local @!p0 [hbm:s0], s1  }
0xae: {  	s0 =	simm.s32 @!p0 $0x1  }
0xaf: {  	_ =	swait.ge @!p0 [sflag:s0], s1  }
0xb0: {  	s1 =	ssub.s32 @!p0 $0x0, s1;
	[sflag:s0] =	ssyncset.done @!p0 $0x0  }
0xb1: {  	[sflag:s0] =	ssyncadd.s32 @!p0 s1  }
0xb2: {  	[bflag:$0x3] =	sbarrier.arrive $0xFFFF  }
0xb3: {  	_ =	shalt  }

</sc_bundles>
